<compile_context>
chip_gen: v7x
topology: tpu7x:2x2x1
jax: 0.10.2.dev20260603
libtpu: 0.0.44.dev20260713+nightly
codegen_flags: <defaults>
</compile_context>

<pallas_src>
import functools

import jax
import jax.numpy as jnp
from jax import lax
from jax.experimental.layout import Layout, with_layout_constraint
from jax.experimental import pallas as pl
from jax.experimental.pallas import tpu as pltpu
from jax.experimental.pallas import tpu_sc as plsc

_PAD = 0
_B, _L, _D = 4096, 200, 64
_NC, _NS, _LANES = 2, 16, 16
_NW = _NC * _NS
_RPW = _B // _NW
_G = _RPW // _LANES


def _enc_body(xt_hbm, tab_hbm, out_hbm, idx_v, acc_v, cnt_v, sem):
    wid = lax.axis_index("s") * _NC + lax.axis_index("c")
    base = wid * _RPW

    pltpu.sync_copy(xt_hbm.at[:, pl.ds(base, _RPW)], idx_v)

    zeros = jnp.zeros((_LANES,), jnp.float32)

    def zero_body(i, carry):
        r = i // (_D // _LANES)
        c = lax.rem(i, _D // _LANES)
        acc_v[r, pl.ds(c * _LANES, _LANES)] = zeros
        return carry

    lax.fori_loop(0, _RPW * (_D // _LANES), zero_body, 0)

    def fire_body(l, carry):
        pltpu.async_copy(tab_hbm.at[idx_v.at[l]], acc_v, sem, add=True)
        return carry

    lax.fori_loop(0, _L, fire_body, 0)

    def cnt_body(l, carry):
        return tuple(
            carry[g]
            + jnp.where(idx_v[l, pl.ds(g * _LANES, _LANES)] != _PAD, 1.0, 0.0)
            for g in range(_G)
        )

    cnts = lax.fori_loop(0, _L, cnt_body, (zeros,) * _G)
    for g in range(_G):
        cnt_v[pl.ds(g * _LANES, _LANES)] = 1.0 / jnp.maximum(cnts[g], 1.0)

    def drain_body(l, carry):
        pltpu.make_async_copy(tab_hbm.at[idx_v.at[0]], acc_v, sem).wait()
        return carry

    lax.fori_loop(0, _L, drain_body, 0)

    def scale_body(r, carry):
        s16 = plsc.load_gather(cnt_v, [jnp.full((_LANES,), r, jnp.int32)])
        for c in range(_D // _LANES):
            sl = pl.ds(c * _LANES, _LANES)
            acc_v[r, sl] = acc_v[r, sl] * s16
        return carry

    lax.fori_loop(0, _RPW, scale_body, 0)

    pltpu.sync_copy(acc_v, out_hbm.at[pl.ds(base, _RPW)])


@jax.jit
def _enc(x, emb_weight):
    emb_weight = with_layout_constraint(
        emb_weight, Layout((1, 0), ((8, 128),))
    )
    x = with_layout_constraint(x, Layout((1, 0), ((8, 128),)))
    xt = x.T
    mesh = plsc.VectorSubcoreMesh(core_axis_name="c", subcore_axis_name="s")
    f = pl.kernel(
        _enc_body,
        out_type=jax.ShapeDtypeStruct((_B, _D), jnp.float32),
        mesh=mesh,
        compiler_params=pltpu.CompilerParams(
            use_tc_tiling_on_sc=False, needs_layout_passes=False
        ),
        scratch_types=[
            pltpu.VMEM((_L, _RPW), jnp.int32),
            pltpu.VMEM((_RPW, _D), jnp.float32),
            pltpu.VMEM((_RPW,), jnp.float32),
            pltpu.SemaphoreType.DMA,
        ],
    )
    return f(xt, emb_weight)


def kernel(x, emb_weight):
    return _enc(x, emb_weight)

# --- scband reference (transcript-rebuilt; emitter-appended) ---
"""Pipeline reference for scband-encoder-38276748542681 (READ-ONLY COPY).

The authoritative reference and input builder live on the scoring server;
editing this copy changes nothing except your own understanding.
"""

import jax, jax.numpy as jnp
import numpy as np

PAD_IDX = 0
VOCAB = 1000000
DIM = 64
B = 4096
L = 200

def setup_inputs(seed: int = 0) -> dict:
    key = jax.random.key(seed)
    k1, k2 = jax.random.split(key)
    x = jax.random.randint(k1, (B, L), 0, VOCAB, dtype=jnp.int32)
    emb_weight = jax.random.normal(k2, (VOCAB, DIM), dtype=jnp.float32) * 0.02
    # nn.Embedding with padding_idx zeroes the padding row at init
    emb_weight = emb_weight.at[PAD_IDX].set(0.0)
    return {"x": x, "emb_weight": emb_weight}

def reference(x, emb_weight):
    # mask = (x != pad_idx).unsqueeze(-1)
    mask = (x != PAD_IDX)[..., None].astype(emb_weight.dtype)
    # e = self.emb(x)  -> embedding gather
    e = jnp.take(emb_weight, x, axis=0)
    # mean = (e * mask).sum(1) / mask.sum(1).clamp(min=1)
    denom = jnp.clip(mask.sum(axis=1), 1.0, None)
    mean = (e * mask).sum(axis=1) / denom
    # dropout is identity in eval mode
    return mean

if __name__ == "__main__":
    import jax
    _d = setup_inputs()
    print(jax.jit(kernel)(*tuple(_d.values())))

</pallas_src>

<mosaic_0001>
#map = affine_map<(d0, d1) -> (0, 0)>
module attributes {stable_mosaic.version = 14 : i64} {
  func.func @_enc_body(%arg0: i32, %arg1: i32, %arg2: memref<200x4096xi32, #tpu.memory_space<hbm>>, %arg3: memref<1000000x64xf32, #tpu.memory_space<hbm>>, %arg4: memref<4096x64xf32, #tpu.memory_space<hbm>>, %arg5: memref<200x128xi32, #tpu.memory_space<vmem>>, %arg6: memref<128x64xf32, #tpu.memory_space<vmem>>, %arg7: memref<128xf32, #tpu.memory_space<vmem>>, %arg8: memref<!tpu.dma_semaphore, #tpu.memory_space<semaphore_mem>>) attributes {dimension_semantics = [#tpu.dimension_semantics<core_parallel>, #tpu.dimension_semantics<subcore_parallel>], iteration_bounds = array<i64: 2, 16>, scalar_prefetch = 0 : i64, scratch_operands = 4 : i64, tpu.core_type = #tpu.core_type<sc_vector_subcore>, window_params = [{transform_indices = #map}, {transform_indices = #map}, {transform_indices = #map}]} {
    %mul3A = arith.constant 2 : i32
    %mul3A_0 = arith.muli %arg1, %mul3A : i32
    %add3A = arith.addi %mul3A_0, %arg0 : i32
    %mul3A_1 = arith.constant 128 : i32
    %mul3A_2 = arith.muli %add3A, %mul3A_1 : i32
    "tpu.region"() ({
      %run_scoped3A = tpu.sem_alloc : memref<!tpu.dma_semaphore, #tpu.memory_space<semaphore_mem>>
      %dma_start3A = arith.constant 0 : i32
      %dma_start3A_94 = tpu.memref_slice %arg2[%dma_start3A, %mul3A_2] : memref<200x4096xi32, #tpu.memory_space<hbm>> -> memref<200x128xi32, #tpu.memory_space<hbm>>
      %dma_start3A_95 = arith.constant 0 : i32
      %dma_start3A_96 = tpu.memref_slice %arg2[%dma_start3A_95, %mul3A_2] : memref<200x4096xi32, #tpu.memory_space<hbm>> -> memref<200x128xi32, #tpu.memory_space<hbm>>
      tpu.enqueue_dma source(%dma_start3A_96 : memref<200x128xi32, #tpu.memory_space<hbm>>) target(%arg5 : memref<200x128xi32, #tpu.memory_space<vmem>>) target_semaphore(%run_scoped3A : memref<!tpu.dma_semaphore, #tpu.memory_space<semaphore_mem>>)
      %dma_wait3A = arith.constant 0 : i32
      %dma_wait3A_97 = tpu.memref_slice %arg2[%dma_wait3A, %mul3A_2] : memref<200x4096xi32, #tpu.memory_space<hbm>> -> memref<200x128xi32, #tpu.memory_space<hbm>>
      %dma_wait3A_98 = arith.constant 0 : i32
      %dma_wait3A_99 = tpu.memref_slice %arg2[%dma_wait3A_98, %mul3A_2] : memref<200x4096xi32, #tpu.memory_space<hbm>> -> memref<200x128xi32, #tpu.memory_space<hbm>>
      tpu.wait_dma2 semaphore(%run_scoped3A : memref<!tpu.dma_semaphore, #tpu.memory_space<semaphore_mem>>) src(%dma_wait3A_99 : memref<200x128xi32, #tpu.memory_space<hbm>>) dst(%arg5 : memref<200x128xi32, #tpu.memory_space<vmem>>)
      tpu.yield
    }) : () -> ()
    %broadcast_in_dim3A = arith.constant 0.000000e+00 : f32
    %broadcast_in_dim3A_3 = vector.broadcast %broadcast_in_dim3A : f32 to vector<16xf32>
    %scan3A = arith.constant 0 : i32
    %scan3A_4 = arith.constant 0 : i32
    %scan3A_5 = arith.constant 512 : i32
    %scan3A_6 = arith.addi %scan3A_4, %scan3A_5 : i32
    %scan3A_7 = arith.constant 1 : i32
    scf.for %scan3A_94 = %scan3A_4 to %scan3A_6 step %scan3A_7  : i32 {
      %jit3A = arith.constant 4 : i32
      %div3A_95 = arith.divsi %scan3A_94, %jit3A : i32
      %sign3A = arith.constant 0 : i32
      %sign3A_96 = arith.cmpi sgt, %scan3A_94, %sign3A : i32
      %sign3A_97 = arith.extui %sign3A_96 : i1 to i32
      %sign3A_98 = arith.constant 0 : i32
      %sign3A_99 = arith.cmpi slt, %scan3A_94, %sign3A_98 : i32
      %sign3A_100 = arith.extui %sign3A_99 : i1 to i32
      %sign3A_101 = arith.subi %sign3A_97, %sign3A_100 : i32
      %sign3A_102 = arith.constant 0 : i32
      %sign3A_103 = arith.cmpi sgt, %jit3A, %sign3A_102 : i32
      %sign3A_104 = arith.extui %sign3A_103 : i1 to i32
      %sign3A_105 = arith.constant 0 : i32
      %sign3A_106 = arith.cmpi slt, %jit3A, %sign3A_105 : i32
      %sign3A_107 = arith.extui %sign3A_106 : i1 to i32
      %sign3A_108 = arith.subi %sign3A_104, %sign3A_107 : i32
      %ne3A = arith.cmpi ne, %sign3A_101, %sign3A_108 : i32
      %rem3A = arith.remsi %scan3A_94, %jit3A : i32
      %ne3A_109 = arith.constant 0 : i32
      %ne3A_110 = arith.cmpi ne, %rem3A, %ne3A_109 : i32
      %and3A = arith.andi %ne3A, %ne3A_110 : i1
      %sub3A = arith.constant 1 : i32
      %sub3A_111 = arith.subi %div3A_95, %sub3A : i32
      %select_n3A = arith.select %and3A, %sub3A_111, %div3A_95 : i32
      %rem3A_112 = arith.constant 4 : i32
      %rem3A_113 = arith.remsi %scan3A_94, %rem3A_112 : i32
      %mul3A_114 = arith.constant 16 : i32
      %mul3A_115 = arith.muli %rem3A_113, %mul3A_114 : i32
      %swap3A_116 = arith.index_cast %select_n3A : i32 to index
      %swap3A_117 = arith.index_cast %mul3A_115 : i32 to index
      %swap3A_118 = tpu.vector_load %arg6[%swap3A_116, %swap3A_117] {strides = array<i32>} : memref<128x64xf32, #tpu.memory_space<vmem>>, vector<16xf32>,
      tpu.vector_store %arg6[%swap3A_116, %swap3A_117], %broadcast_in_dim3A_3 {strides = array<i32>} : memref<128x64xf32, #tpu.memory_space<vmem>>, vector<16xf32>,
    }
    %scan3A_8 = arith.constant 512 : i32
    %scan3A_9 = arith.constant 0 : i32
    %scan3A_10 = arith.constant 0 : i32
    %scan3A_11 = arith.constant 200 : i32
    %scan3A_12 = arith.addi %scan3A_10, %scan3A_11 : i32
    %scan3A_13 = arith.constant 1 : i32
    scf.for %scan3A_94 = %scan3A_10 to %scan3A_12 step %scan3A_13  : i32 {
      %dma_start3A = arith.constant 0 : i32
      %dma_start3A_95 = tpu.memref_slice %arg5[%scan3A_94, %dma_start3A] : memref<200x128xi32, #tpu.memory_space<vmem>> -> memref<1x128xi32, #tpu.memory_space<vmem>>
      %dma_start3A_96 = tpu.memref_squeeze %dma_start3A_95 : memref<1x128xi32, #tpu.memory_space<vmem>> -> memref<128xi32, #tpu.memory_space<vmem>>
      %dma_start3A_97 = arith.constant 0 : i32
      %dma_start3A_98 = arith.constant 0 : i32
      %dma_start3A_99 = tpu.memref_slice %arg3[%dma_start3A_97, %dma_start3A_98] : memref<1000000x64xf32, #tpu.memory_space<hbm>> -> memref<1000000x64xf32, #tpu.memory_space<hbm>>
      tpu.enqueue_indirect_dma source(%dma_start3A_99 : memref<1000000x64xf32, #tpu.memory_space<hbm>>) target(%arg6 : memref<128x64xf32, #tpu.memory_space<vmem>>) offsets(%dma_start3A_96 : memref<128xi32, #tpu.memory_space<vmem>>) semaphore(%arg8 : memref<!tpu.dma_semaphore, #tpu.memory_space<semaphore_mem>>) {add = true}
    }
    %scan3A_14 = arith.constant 200 : i32
    %scan3A_15 = arith.constant 0 : i32
    %scan3A_16 = arith.constant 200 : i32
    %scan3A_17 = arith.addi %scan3A_15, %scan3A_16 : i32
    %scan3A_18 = arith.constant 1 : i32
    %scan3A_19:8 = scf.for %scan3A_94 = %scan3A_15 to %scan3A_17 step %scan3A_18 iter_args(%scan3A_95 = %broadcast_in_dim3A_3, %scan3A_96 = %broadcast_in_dim3A_3, %scan3A_97 = %broadcast_in_dim3A_3, %scan3A_98 = %broadcast_in_dim3A_3, %scan3A_99 = %broadcast_in_dim3A_3, %scan3A_100 = %broadcast_in_dim3A_3, %scan3A_101 = %broadcast_in_dim3A_3, %scan3A_102 = %broadcast_in_dim3A_3) -> (vector<16xf32>, vector<16xf32>, vector<16xf32>, vector<16xf32>, vector<16xf32>, vector<16xf32>, vector<16xf32>, vector<16xf32>)  : i32 {
      %get3A = arith.index_cast %scan3A_94 : i32 to index
      %get3A_103 = arith.constant 0 : index
      %get3A_104 = tpu.vector_load %arg5[%get3A, %get3A_103] {strides = array<i32>} : memref<200x128xi32, #tpu.memory_space<vmem>>, vector<16xi32>,
      %ne3A = arith.constant 0 : i32
      %ne3A_105 = vector.broadcast %ne3A : i32 to vector<16xi32>
      %ne3A_106 = arith.cmpi ne, %get3A_104, %ne3A_105 : vector<16xi32>
      %jit3A = arith.constant 1.000000e+00 : f32
      %jit3A_107 = arith.constant 0.000000e+00 : f32
      %broadcast_in_dim3A_108 = vector.broadcast %jit3A : f32 to vector<16xf32>
      %broadcast_in_dim3A_109 = vector.broadcast %jit3A_107 : f32 to vector<16xf32>
      %select_n3A = arith.select %ne3A_106, %broadcast_in_dim3A_108, %broadcast_in_dim3A_109 : vector<16xi1>, vector<16xf32>
      %add3A_110 = arith.addf %scan3A_95, %select_n3A : vector<16xf32>
      %get3A_111 = arith.index_cast %scan3A_94 : i32 to index
      %get3A_112 = arith.constant 16 : index
      %get3A_113 = tpu.vector_load %arg5[%get3A_111, %get3A_112] {strides = array<i32>} : memref<200x128xi32, #tpu.memory_space<vmem>>, vector<16xi32>,
      %ne3A_114 = arith.constant 0 : i32
      %ne3A_115 = vector.broadcast %ne3A_114 : i32 to vector<16xi32>
      %ne3A_116 = arith.cmpi ne, %get3A_113, %ne3A_115 : vector<16xi32>
      %jit3A_117 = arith.constant 1.000000e+00 : f32
      %jit3A_118 = arith.constant 0.000000e+00 : f32
      %broadcast_in_dim3A_119 = vector.broadcast %jit3A_117 : f32 to vector<16xf32>
      %broadcast_in_dim3A_120 = vector.broadcast %jit3A_118 : f32 to vector<16xf32>
      %select_n3A_121 = arith.select %ne3A_116, %broadcast_in_dim3A_119, %broadcast_in_dim3A_120 : vector<16xi1>, vector<16xf32>
      %add3A_122 = arith.addf %scan3A_96, %select_n3A_121 : vector<16xf32>
      %get3A_123 = arith.index_cast %scan3A_94 : i32 to index
      %get3A_124 = arith.constant 32 : index
      %get3A_125 = tpu.vector_load %arg5[%get3A_123, %get3A_124] {strides = array<i32>} : memref<200x128xi32, #tpu.memory_space<vmem>>, vector<16xi32>,
      %ne3A_126 = arith.constant 0 : i32
      %ne3A_127 = vector.broadcast %ne3A_126 : i32 to vector<16xi32>
      %ne3A_128 = arith.cmpi ne, %get3A_125, %ne3A_127 : vector<16xi32>
      %jit3A_129 = arith.constant 1.000000e+00 : f32
      %jit3A_130 = arith.constant 0.000000e+00 : f32
      %broadcast_in_dim3A_131 = vector.broadcast %jit3A_129 : f32 to vector<16xf32>
      %broadcast_in_dim3A_132 = vector.broadcast %jit3A_130 : f32 to vector<16xf32>
      %select_n3A_133 = arith.select %ne3A_128, %broadcast_in_dim3A_131, %broadcast_in_dim3A_132 : vector<16xi1>, vector<16xf32>
      %add3A_134 = arith.addf %scan3A_97, %select_n3A_133 : vector<16xf32>
      %get3A_135 = arith.index_cast %scan3A_94 : i32 to index
      %get3A_136 = arith.constant 48 : index
      %get3A_137 = tpu.vector_load %arg5[%get3A_135, %get3A_136] {strides = array<i32>} : memref<200x128xi32, #tpu.memory_space<vmem>>, vector<16xi32>,
      %ne3A_138 = arith.constant 0 : i32
      %ne3A_139 = vector.broadcast %ne3A_138 : i32 to vector<16xi32>
      %ne3A_140 = arith.cmpi ne, %get3A_137, %ne3A_139 : vector<16xi32>
      %jit3A_141 = arith.constant 1.000000e+00 : f32
      %jit3A_142 = arith.constant 0.000000e+00 : f32
      %broadcast_in_dim3A_143 = vector.broadcast %jit3A_141 : f32 to vector<16xf32>
      %broadcast_in_dim3A_144 = vector.broadcast %jit3A_142 : f32 to vector<16xf32>
      %select_n3A_145 = arith.select %ne3A_140, %broadcast_in_dim3A_143, %broadcast_in_dim3A_144 : vector<16xi1>, vector<16xf32>
      %add3A_146 = arith.addf %scan3A_98, %select_n3A_145 : vector<16xf32>
      %get3A_147 = arith.index_cast %scan3A_94 : i32 to index
      %get3A_148 = arith.constant 64 : index
      %get3A_149 = tpu.vector_load %arg5[%get3A_147, %get3A_148] {strides = array<i32>} : memref<200x128xi32, #tpu.memory_space<vmem>>, vector<16xi32>,
      %ne3A_150 = arith.constant 0 : i32
      %ne3A_151 = vector.broadcast %ne3A_150 : i32 to vector<16xi32>
      %ne3A_152 = arith.cmpi ne, %get3A_149, %ne3A_151 : vector<16xi32>
      %jit3A_153 = arith.constant 1.000000e+00 : f32
      %jit3A_154 = arith.constant 0.000000e+00 : f32
      %broadcast_in_dim3A_155 = vector.broadcast %jit3A_153 : f32 to vector<16xf32>
      %broadcast_in_dim3A_156 = vector.broadcast %jit3A_154 : f32 to vector<16xf32>
      %select_n3A_157 = arith.select %ne3A_152, %broadcast_in_dim3A_155, %broadcast_in_dim3A_156 : vector<16xi1>, vector<16xf32>
      %add3A_158 = arith.addf %scan3A_99, %select_n3A_157 : vector<16xf32>
      %get3A_159 = arith.index_cast %scan3A_94 : i32 to index
      %get3A_160 = arith.constant 80 : index
      %get3A_161 = tpu.vector_load %arg5[%get3A_159, %get3A_160] {strides = array<i32>} : memref<200x128xi32, #tpu.memory_space<vmem>>, vector<16xi32>,
      %ne3A_162 = arith.constant 0 : i32
      %ne3A_163 = vector.broadcast %ne3A_162 : i32 to vector<16xi32>
      %ne3A_164 = arith.cmpi ne, %get3A_161, %ne3A_163 : vector<16xi32>
      %jit3A_165 = arith.constant 1.000000e+00 : f32
      %jit3A_166 = arith.constant 0.000000e+00 : f32
      %broadcast_in_dim3A_167 = vector.broadcast %jit3A_165 : f32 to vector<16xf32>
      %broadcast_in_dim3A_168 = vector.broadcast %jit3A_166 : f32 to vector<16xf32>
      %select_n3A_169 = arith.select %ne3A_164, %broadcast_in_dim3A_167, %broadcast_in_dim3A_168 : vector<16xi1>, vector<16xf32>
      %add3A_170 = arith.addf %scan3A_100, %select_n3A_169 : vector<16xf32>
      %get3A_171 = arith.index_cast %scan3A_94 : i32 to index
      %get3A_172 = arith.constant 96 : index
      %get3A_173 = tpu.vector_load %arg5[%get3A_171, %get3A_172] {strides = array<i32>} : memref<200x128xi32, #tpu.memory_space<vmem>>, vector<16xi32>,
      %ne3A_174 = arith.constant 0 : i32
      %ne3A_175 = vector.broadcast %ne3A_174 : i32 to vector<16xi32>
      %ne3A_176 = arith.cmpi ne, %get3A_173, %ne3A_175 : vector<16xi32>
      %jit3A_177 = arith.constant 1.000000e+00 : f32
      %jit3A_178 = arith.constant 0.000000e+00 : f32
      %broadcast_in_dim3A_179 = vector.broadcast %jit3A_177 : f32 to vector<16xf32>
      %broadcast_in_dim3A_180 = vector.broadcast %jit3A_178 : f32 to vector<16xf32>
      %select_n3A_181 = arith.select %ne3A_176, %broadcast_in_dim3A_179, %broadcast_in_dim3A_180 : vector<16xi1>, vector<16xf32>
      %add3A_182 = arith.addf %scan3A_101, %select_n3A_181 : vector<16xf32>
      %get3A_183 = arith.index_cast %scan3A_94 : i32 to index
      %get3A_184 = arith.constant 112 : index
      %get3A_185 = tpu.vector_load %arg5[%get3A_183, %get3A_184] {strides = array<i32>} : memref<200x128xi32, #tpu.memory_space<vmem>>, vector<16xi32>,
      %ne3A_186 = arith.constant 0 : i32
      %ne3A_187 = vector.broadcast %ne3A_186 : i32 to vector<16xi32>
      %ne3A_188 = arith.cmpi ne, %get3A_185, %ne3A_187 : vector<16xi32>
      %jit3A_189 = arith.constant 1.000000e+00 : f32
      %jit3A_190 = arith.constant 0.000000e+00 : f32
      %broadcast_in_dim3A_191 = vector.broadcast %jit3A_189 : f32 to vector<16xf32>
      %broadcast_in_dim3A_192 = vector.broadcast %jit3A_190 : f32 to vector<16xf32>
      %select_n3A_193 = arith.select %ne3A_188, %broadcast_in_dim3A_191, %broadcast_in_dim3A_192 : vector<16xi1>, vector<16xf32>
      %add3A_194 = arith.addf %scan3A_102, %select_n3A_193 : vector<16xf32>
      scf.yield %add3A_110, %add3A_122, %add3A_134, %add3A_146, %add3A_158, %add3A_170, %add3A_182, %add3A_194 : vector<16xf32>, vector<16xf32>, vector<16xf32>, vector<16xf32>, vector<16xf32>, vector<16xf32>, vector<16xf32>, vector<16xf32>
    }
    %scan3A_20 = arith.constant 200 : i32
    %max3A = arith.constant 1.000000e+00 : f32
    %max3A_21 = vector.broadcast %max3A : f32 to vector<16xf32>
    %max3A_22 = arith.maximumf %scan3A_19#0, %max3A_21 : vector<16xf32>
    %div3A = arith.constant 1.000000e+00 : f32
    %div3A_23 = vector.broadcast %div3A : f32 to vector<16xf32>
    %div3A_24 = arith.divf %div3A_23, %max3A_22 : vector<16xf32>
    %swap3A = arith.constant 0 : index
    %swap3A_25 = tpu.vector_load %arg7[%swap3A] {strides = array<i32>} : memref<128xf32, #tpu.memory_space<vmem>>, vector<16xf32>,
    tpu.vector_store %arg7[%swap3A], %div3A_24 {strides = array<i32>} : memref<128xf32, #tpu.memory_space<vmem>>, vector<16xf32>,
    %max3A_26 = arith.constant 1.000000e+00 : f32
    %max3A_27 = vector.broadcast %max3A_26 : f32 to vector<16xf32>
    %max3A_28 = arith.maximumf %scan3A_19#1, %max3A_27 : vector<16xf32>
    %div3A_29 = arith.constant 1.000000e+00 : f32
    %div3A_30 = vector.broadcast %div3A_29 : f32 to vector<16xf32>
    %div3A_31 = arith.divf %div3A_30, %max3A_28 : vector<16xf32>
    %swap3A_32 = arith.constant 16 : index
    %swap3A_33 = tpu.vector_load %arg7[%swap3A_32] {strides = array<i32>} : memref<128xf32, #tpu.memory_space<vmem>>, vector<16xf32>,
    tpu.vector_store %arg7[%swap3A_32], %div3A_31 {strides = array<i32>} : memref<128xf32, #tpu.memory_space<vmem>>, vector<16xf32>,
    %max3A_34 = arith.constant 1.000000e+00 : f32
    %max3A_35 = vector.broadcast %max3A_34 : f32 to vector<16xf32>
    %max3A_36 = arith.maximumf %scan3A_19#2, %max3A_35 : vector<16xf32>
    %div3A_37 = arith.constant 1.000000e+00 : f32
    %div3A_38 = vector.broadcast %div3A_37 : f32 to vector<16xf32>
    %div3A_39 = arith.divf %div3A_38, %max3A_36 : vector<16xf32>
    %swap3A_40 = arith.constant 32 : index
    %swap3A_41 = tpu.vector_load %arg7[%swap3A_40] {strides = array<i32>} : memref<128xf32, #tpu.memory_space<vmem>>, vector<16xf32>,
    tpu.vector_store %arg7[%swap3A_40], %div3A_39 {strides = array<i32>} : memref<128xf32, #tpu.memory_space<vmem>>, vector<16xf32>,
    %max3A_42 = arith.constant 1.000000e+00 : f32
    %max3A_43 = vector.broadcast %max3A_42 : f32 to vector<16xf32>
    %max3A_44 = arith.maximumf %scan3A_19#3, %max3A_43 : vector<16xf32>
    %div3A_45 = arith.constant 1.000000e+00 : f32
    %div3A_46 = vector.broadcast %div3A_45 : f32 to vector<16xf32>
    %div3A_47 = arith.divf %div3A_46, %max3A_44 : vector<16xf32>
    %swap3A_48 = arith.constant 48 : index
    %swap3A_49 = tpu.vector_load %arg7[%swap3A_48] {strides = array<i32>} : memref<128xf32, #tpu.memory_space<vmem>>, vector<16xf32>,
    tpu.vector_store %arg7[%swap3A_48], %div3A_47 {strides = array<i32>} : memref<128xf32, #tpu.memory_space<vmem>>, vector<16xf32>,
    %max3A_50 = arith.constant 1.000000e+00 : f32
    %max3A_51 = vector.broadcast %max3A_50 : f32 to vector<16xf32>
    %max3A_52 = arith.maximumf %scan3A_19#4, %max3A_51 : vector<16xf32>
    %div3A_53 = arith.constant 1.000000e+00 : f32
    %div3A_54 = vector.broadcast %div3A_53 : f32 to vector<16xf32>
    %div3A_55 = arith.divf %div3A_54, %max3A_52 : vector<16xf32>
    %swap3A_56 = arith.constant 64 : index
    %swap3A_57 = tpu.vector_load %arg7[%swap3A_56] {strides = array<i32>} : memref<128xf32, #tpu.memory_space<vmem>>, vector<16xf32>,
    tpu.vector_store %arg7[%swap3A_56], %div3A_55 {strides = array<i32>} : memref<128xf32, #tpu.memory_space<vmem>>, vector<16xf32>,
    %max3A_58 = arith.constant 1.000000e+00 : f32
    %max3A_59 = vector.broadcast %max3A_58 : f32 to vector<16xf32>
    %max3A_60 = arith.maximumf %scan3A_19#5, %max3A_59 : vector<16xf32>
    %div3A_61 = arith.constant 1.000000e+00 : f32
    %div3A_62 = vector.broadcast %div3A_61 : f32 to vector<16xf32>
    %div3A_63 = arith.divf %div3A_62, %max3A_60 : vector<16xf32>
    %swap3A_64 = arith.constant 80 : index
    %swap3A_65 = tpu.vector_load %arg7[%swap3A_64] {strides = array<i32>} : memref<128xf32, #tpu.memory_space<vmem>>, vector<16xf32>,
    tpu.vector_store %arg7[%swap3A_64], %div3A_63 {strides = array<i32>} : memref<128xf32, #tpu.memory_space<vmem>>, vector<16xf32>,
    %max3A_66 = arith.constant 1.000000e+00 : f32
    %max3A_67 = vector.broadcast %max3A_66 : f32 to vector<16xf32>
    %max3A_68 = arith.maximumf %scan3A_19#6, %max3A_67 : vector<16xf32>
    %div3A_69 = arith.constant 1.000000e+00 : f32
    %div3A_70 = vector.broadcast %div3A_69 : f32 to vector<16xf32>
    %div3A_71 = arith.divf %div3A_70, %max3A_68 : vector<16xf32>
    %swap3A_72 = arith.constant 96 : index
    %swap3A_73 = tpu.vector_load %arg7[%swap3A_72] {strides = array<i32>} : memref<128xf32, #tpu.memory_space<vmem>>, vector<16xf32>,
    tpu.vector_store %arg7[%swap3A_72], %div3A_71 {strides = array<i32>} : memref<128xf32, #tpu.memory_space<vmem>>, vector<16xf32>,
    %max3A_74 = arith.constant 1.000000e+00 : f32
    %max3A_75 = vector.broadcast %max3A_74 : f32 to vector<16xf32>
    %max3A_76 = arith.maximumf %scan3A_19#7, %max3A_75 : vector<16xf32>
    %div3A_77 = arith.constant 1.000000e+00 : f32
    %div3A_78 = vector.broadcast %div3A_77 : f32 to vector<16xf32>
    %div3A_79 = arith.divf %div3A_78, %max3A_76 : vector<16xf32>
    %swap3A_80 = arith.constant 112 : index
    %swap3A_81 = tpu.vector_load %arg7[%swap3A_80] {strides = array<i32>} : memref<128xf32, #tpu.memory_space<vmem>>, vector<16xf32>,
    tpu.vector_store %arg7[%swap3A_80], %div3A_79 {strides = array<i32>} : memref<128xf32, #tpu.memory_space<vmem>>, vector<16xf32>,
    %scan3A_82 = arith.constant 0 : i32
    %scan3A_83 = arith.constant 0 : i32
    %scan3A_84 = arith.constant 200 : i32
    %scan3A_85 = arith.addi %scan3A_83, %scan3A_84 : i32
    %scan3A_86 = arith.constant 1 : i32
    scf.for %scan3A_94 = %scan3A_83 to %scan3A_85 step %scan3A_86  : i32 {
      %dma_wait3A = arith.constant 0 : i32
      %dma_wait3A_95 = arith.constant 0 : i32
      %dma_wait3A_96 = tpu.memref_slice %arg5[%dma_wait3A, %dma_wait3A_95] : memref<200x128xi32, #tpu.memory_space<vmem>> -> memref<1x128xi32, #tpu.memory_space<vmem>>
      %dma_wait3A_97 = tpu.memref_squeeze %dma_wait3A_96 : memref<1x128xi32, #tpu.memory_space<vmem>> -> memref<128xi32, #tpu.memory_space<vmem>>
      %dma_wait3A_98 = arith.constant 0 : i32
      %dma_wait3A_99 = arith.constant 0 : i32
      %dma_wait3A_100 = tpu.memref_slice %arg3[%dma_wait3A_98, %dma_wait3A_99] : memref<1000000x64xf32, #tpu.memory_space<hbm>> -> memref<1000000x64xf32, #tpu.memory_space<hbm>>
      tpu.wait_indirect_dma semaphore(%arg8 : memref<!tpu.dma_semaphore, #tpu.memory_space<semaphore_mem>>) src(%dma_wait3A_100 : memref<1000000x64xf32, #tpu.memory_space<hbm>>) dst(%arg6 : memref<128x64xf32, #tpu.memory_space<vmem>>)
    }
    %scan3A_87 = arith.constant 200 : i32
    %scan3A_88 = arith.constant 0 : i32
    %scan3A_89 = arith.constant 0 : i32
    %scan3A_90 = arith.constant 128 : i32
    %scan3A_91 = arith.addi %scan3A_89, %scan3A_90 : i32
    %scan3A_92 = arith.constant 1 : i32
    scf.for %scan3A_94 = %scan3A_89 to %scan3A_91 step %scan3A_92  : i32 {
      %broadcast_in_dim3A_95 = vector.broadcast %scan3A_94 : i32 to vector<16xi32>
      %gather3A = tpu.vector_load_idx %arg7[%broadcast_in_dim3A_95] : memref<128xf32, #tpu.memory_space<vmem>>[vector<16xi32>], vector<16xf32>,
      %get3A = arith.index_cast %scan3A_94 : i32 to index
      %get3A_96 = arith.constant 0 : index
      %get3A_97 = tpu.vector_load %arg6[%get3A, %get3A_96] {strides = array<i32>} : memref<128x64xf32, #tpu.memory_space<vmem>>, vector<16xf32>,
      %mul3A_98 = arith.mulf %get3A_97, %gather3A : vector<16xf32>
      %swap3A_99 = arith.index_cast %scan3A_94 : i32 to index
      %swap3A_100 = arith.constant 0 : index
      %swap3A_101 = tpu.vector_load %arg6[%swap3A_99, %swap3A_100] {strides = array<i32>} : memref<128x64xf32, #tpu.memory_space<vmem>>, vector<16xf32>,
      tpu.vector_store %arg6[%swap3A_99, %swap3A_100], %mul3A_98 {strides = array<i32>} : memref<128x64xf32, #tpu.memory_space<vmem>>, vector<16xf32>,
      %get3A_102 = arith.index_cast %scan3A_94 : i32 to index
      %get3A_103 = arith.constant 16 : index
      %get3A_104 = tpu.vector_load %arg6[%get3A_102, %get3A_103] {strides = array<i32>} : memref<128x64xf32, #tpu.memory_space<vmem>>, vector<16xf32>,
      %mul3A_105 = arith.mulf %get3A_104, %gather3A : vector<16xf32>
      %swap3A_106 = arith.index_cast %scan3A_94 : i32 to index
      %swap3A_107 = arith.constant 16 : index
      %swap3A_108 = tpu.vector_load %arg6[%swap3A_106, %swap3A_107] {strides = array<i32>} : memref<128x64xf32, #tpu.memory_space<vmem>>, vector<16xf32>,
      tpu.vector_store %arg6[%swap3A_106, %swap3A_107], %mul3A_105 {strides = array<i32>} : memref<128x64xf32, #tpu.memory_space<vmem>>, vector<16xf32>,
      %get3A_109 = arith.index_cast %scan3A_94 : i32 to index
      %get3A_110 = arith.constant 32 : index
      %get3A_111 = tpu.vector_load %arg6[%get3A_109, %get3A_110] {strides = array<i32>} : memref<128x64xf32, #tpu.memory_space<vmem>>, vector<16xf32>,
      %mul3A_112 = arith.mulf %get3A_111, %gather3A : vector<16xf32>
      %swap3A_113 = arith.index_cast %scan3A_94 : i32 to index
      %swap3A_114 = arith.constant 32 : index
      %swap3A_115 = tpu.vector_load %arg6[%swap3A_113, %swap3A_114] {strides = array<i32>} : memref<128x64xf32, #tpu.memory_space<vmem>>, vector<16xf32>,
      tpu.vector_store %arg6[%swap3A_113, %swap3A_114], %mul3A_112 {strides = array<i32>} : memref<128x64xf32, #tpu.memory_space<vmem>>, vector<16xf32>,
      %get3A_116 = arith.index_cast %scan3A_94 : i32 to index
      %get3A_117 = arith.constant 48 : index
      %get3A_118 = tpu.vector_load %arg6[%get3A_116, %get3A_117] {strides = array<i32>} : memref<128x64xf32, #tpu.memory_space<vmem>>, vector<16xf32>,
      %mul3A_119 = arith.mulf %get3A_118, %gather3A : vector<16xf32>
      %swap3A_120 = arith.index_cast %scan3A_94 : i32 to index
      %swap3A_121 = arith.constant 48 : index
      %swap3A_122 = tpu.vector_load %arg6[%swap3A_120, %swap3A_121] {strides = array<i32>} : memref<128x64xf32, #tpu.memory_space<vmem>>, vector<16xf32>,
      tpu.vector_store %arg6[%swap3A_120, %swap3A_121], %mul3A_119 {strides = array<i32>} : memref<128x64xf32, #tpu.memory_space<vmem>>, vector<16xf32>,
    }
    %scan3A_93 = arith.constant 128 : i32
    "tpu.region"() ({
      %run_scoped3A = tpu.sem_alloc : memref<!tpu.dma_semaphore, #tpu.memory_space<semaphore_mem>>
      %dma_start3A = arith.constant 0 : i32
      %dma_start3A_94 = tpu.memref_slice %arg4[%mul3A_2, %dma_start3A] : memref<4096x64xf32, #tpu.memory_space<hbm>> -> memref<128x64xf32, #tpu.memory_space<hbm>>
      %dma_start3A_95 = arith.constant 0 : i32
      %dma_start3A_96 = tpu.memref_slice %arg4[%mul3A_2, %dma_start3A_95] : memref<4096x64xf32, #tpu.memory_space<hbm>> -> memref<128x64xf32, #tpu.memory_space<hbm>>
      tpu.enqueue_dma source(%arg6 : memref<128x64xf32, #tpu.memory_space<vmem>>) target(%dma_start3A_96 : memref<128x64xf32, #tpu.memory_space<hbm>>) target_semaphore(%run_scoped3A : memref<!tpu.dma_semaphore, #tpu.memory_space<semaphore_mem>>)
      %dma_wait3A = arith.constant 0 : i32
      %dma_wait3A_97 = tpu.memref_slice %arg4[%mul3A_2, %dma_wait3A] : memref<4096x64xf32, #tpu.memory_space<hbm>> -> memref<128x64xf32, #tpu.memory_space<hbm>>
      %dma_wait3A_98 = arith.constant 0 : i32
      %dma_wait3A_99 = tpu.memref_slice %arg4[%mul3A_2, %dma_wait3A_98] : memref<4096x64xf32, #tpu.memory_space<hbm>> -> memref<128x64xf32, #tpu.memory_space<hbm>>
      tpu.wait_dma2 semaphore(%run_scoped3A : memref<!tpu.dma_semaphore, #tpu.memory_space<semaphore_mem>>) src(%arg6 : memref<128x64xf32, #tpu.memory_space<vmem>>) dst(%dma_wait3A_99 : memref<128x64xf32, #tpu.memory_space<hbm>>)
      tpu.yield
    }) : () -> ()
    return
  }
}

</mosaic_0001>

<sc_bundles>
// kernel: _enc.3.cloned.1.call-start
scs
__scs_entry_jumppad:
0x0: {  	(pc) =	sbr.rel $0x88, $3  }
0x1: {  	(tag) =	ssettag $0x0;
	lr =	simm.s32 $0x1  }
0x2: {  	[smem:$0x3F9F] =	sst lr;
	_ =	strace $0xD0000000  }
0x3: {  	_ = 	snop  }
0x4: {  	_ = 	snop  }
0x5: {  	_ = 	snop  }
0x6: {  	_ = 	snop  }
0x7: {  	_ = 	snop  }
__scs_overlays_trampoline_lowered:
0x8: {  	[smem:$0x3FAE] =	sst s0  }
0x9: {  	[smem:$0x3FAF] =	sst s1  }
0xa: {  	[smem:$0x3FB0] =	sst s2  }
0xb: {  	[smem:$0x3FB1] =	sst s3  }
0xc: {  	[smem:$0x3FB2] =	sst s4  }
0xd: {  	[smem:$0x3FB3] =	sst s5  }
0xe: {  	[smem:$0x3FB4] =	sst s6  }
0xf: {  	[smem:$0x3FB5] =	sst s7  }
0x10: {  	[smem:$0x3FB6] =	sst s8  }
0x11: {  	[smem:$0x3FB7] =	sst s9;
	s0 =	simm.s32 @!p0 $0x0  }
0x12: {  	s1 =	sld [smem:$0x3F9D];
	s0 =	simm.s32 @p0 $0x1  }
0x13: {  	[smem:$0x3FB8] =	sst s0;
	s0 =	simm.s32 @!p1 $0x0  }
0x14: {  	s2 =	sld [smem:$0x3F9C];
	s0 =	simm.s32 @p1 $0x1  }
0x15: {  	[smem:$0x3FB9] =	sst s0;
	s0 =	simm.s32 @!p2 $0x0  }
0x16: {  	s3 =	sld [smem:$0x3FDB];
	s0 =	simm.s32 @p2 $0x1  }
0x17: {  	s4 =	simm.s32 $0x1BF5;
	[smem:$0x3FBB] =	sst s0  }
0x18: {  	s0 =	sld [smem:$0x3F9E];
	_ =	swait.ge [sflag:s4], $0x0  }
0x19: {  	s7 =	sld [smem:$0x3F9F]  }
0x1a: {  	s8 =	sadd.s32 $0xFFFFE003, lr  }
0x1b: {  	s9 =	sadd.s32 $0xFFFFFEF7, lr;
	s5 =	simm.s32 $0xFFFFFFFF;
	p2 =	slt.u32 s8, $0xFFFFF086  }
0x1c: {  	p1 =	slt.u32 s9, $0xF7A;
	s5 =	simm.s32 @!p2 $0x0  }
0x1d: {  	s5 =	simm.s32 @p1 $0x1;
	p0 =	seq.s32 s7, s2  }
0x1e: {  	s7 =	smul.u32 @!p0 $0xF7A, s2;
	p2 =	seq.s32 @!p0 s5, $0x0  }
0x1f: {  	s9 =	smul.u32 $0xF7A, s1;
	s8 =	simm.s32 @!p0 $0x1BF5;
	p2 =	por !p2, p0  }
0x20: {  	[sflag:s8] =	ssyncset.s32 @!p0 $0xFFFFF086;
	s6 =	sadd.s32 @!p0 s3, s7;
	s7 =	simm.s32 @!p0 $0x108  }
0x21: {  	s3 =	sadd.s32 s3, s9;
	s6 =	sadd.s32 @!p0 $0x88, s6;
	s7 =	simm.s32 @p2 $0x1082  }
0x22: {  	[simem:s7], [sflag:s8] =	dma.local @!p0 [hbm:s6], $0xF7A  }
0x23: {  	s9 =	sor.u32 $0xD0000000, s2;
	s6 =	simm.s32 $0x108;
	_ =	swait.ge @!p0 [sflag:s8], $0x0  }
0x24: {  	s3 =	sadd.s32 $0x88, s3;
	s6 =	simm.s32 @!p1 $0x1082;
	[sflag:s4] =	ssyncset.s32 $0xFFFFF086  }
0x25: {  	[simem:s6], [sflag:s4] =	dma.local [hbm:s3], $0xF7A  }
0x26: {  	[smem:$0x3F9F] =	sst s1;
	(tag) =	ssettag s2;
	_ =	strace s9  }
0x27: {  	s1 =	sld [smem:$0x3FAF]  }
0x28: {  	s2 =	sld [smem:$0x3FB0]  }
0x29: {  	s4 =	sld [smem:$0x3FB2]  }
0x2a: {  	p0 =	seq.s32 s5, $0x0;
	s5 =	sld [smem:$0x3FB3]  }
0x2b: {  	s6 =	sld [smem:$0x3FB4]  }
0x2c: {  	s7 =	sld [smem:$0x3FB5]  }
0x2d: {  	s3 =	simm.s32 $0x108;
	s8 =	sld [smem:$0x3FB6]  }
0x2e: {  	s3 =	simm.s32 @!p0 $0x1082;
	s9 =	sld [smem:$0x3FB7]  }
0x2f: {  	lr =	sadd.s32 s0, s3;
	s0 =	sld [smem:$0x3FAE]  }
0x30: {  	s3 =	sld [smem:$0x3FB1]  }
0x31: {  	[smem:$0x3FBA] =	sst s10  }
0x32: {  	s10 =	sld [smem:$0x3FB8];
	_ =	sdelay $0x3  }
0x33: {  	p0 =	seq.s32 s10, $0x1;
	s10 =	sld [smem:$0x3FBA];
	_ =	sdelay $0x3  }
0x34: {  	[smem:$0x3FBA] =	sst s10  }
0x35: {  	s10 =	sld [smem:$0x3FB9];
	_ =	sdelay $0x3  }
0x36: {  	p1 =	seq.s32 s10, $0x1;
	s10 =	sld [smem:$0x3FBA];
	_ =	sdelay $0x3  }
0x37: {  	[smem:$0x3FBA] =	sst s10  }
0x38: {  	s10 =	sld [smem:$0x3FBB]  }
0x39: {  	_ = 	snop;
	(pc) =	sbr.ind lr, $3  }
0x3a: {  	_ = 	snop  }
0x3b: {  	_ = 	snop  }
0x3c: {  	p2 =	seq.s32 s10, $0x1;
	s10 =	sld [smem:$0x3FBA]  }
0x3d: {  	_ =	shalt  }
0x3e: {  	_ =	shalt  }
0x3f: {  	_ =	shalt  }
0x40: {  	_ =	shalt  }
0x41: {  	_ =	shalt  }
0x42: {  	_ =	shalt  }
0x43: {  	_ =	shalt  }
0x44: {  	_ =	shalt  }
0x45: {  	_ =	shalt  }
0x46: {  	_ =	shalt  }
0x47: {  	_ =	shalt  }
0x48: {  	_ =	shalt  }
0x49: {  	_ =	shalt  }
0x4a: {  	_ =	shalt  }
0x4b: {  	_ =	shalt  }
0x4c: {  	_ =	shalt  }
0x4d: {  	_ =	shalt  }
0x4e: {  	_ =	shalt  }
0x4f: {  	_ =	shalt  }
0x50: {  	_ =	shalt  }
0x51: {  	_ =	shalt  }
0x52: {  	_ =	shalt  }
0x53: {  	_ =	shalt  }
0x54: {  	_ =	shalt  }
0x55: {  	_ =	shalt  }
0x56: {  	_ =	shalt  }
0x57: {  	_ =	shalt  }
0x58: {  	_ =	shalt  }
0x59: {  	_ =	shalt  }
0x5a: {  	_ =	shalt  }
0x5b: {  	_ =	shalt  }
0x5c: {  	_ =	shalt  }
0x5d: {  	_ =	shalt  }
0x5e: {  	_ =	shalt  }
0x5f: {  	_ =	shalt  }
0x60: {  	_ =	shalt  }
0x61: {  	_ =	shalt  }
0x62: {  	_ =	shalt  }
0x63: {  	_ =	shalt  }
0x64: {  	_ =	shalt  }
0x65: {  	_ =	shalt  }
0x66: {  	_ =	shalt  }
0x67: {  	_ =	shalt  }
0x68: {  	_ =	shalt  }
0x69: {  	_ =	shalt  }
0x6a: {  	_ =	shalt  }
0x6b: {  	_ =	shalt  }
0x6c: {  	_ =	shalt  }
0x6d: {  	_ =	shalt  }
0x6e: {  	_ =	shalt  }
0x6f: {  	_ =	shalt  }
0x70: {  	_ =	shalt  }
0x71: {  	_ =	shalt  }
0x72: {  	_ =	shalt  }
0x73: {  	_ =	shalt  }
0x74: {  	_ =	shalt  }
0x75: {  	_ =	shalt  }
0x76: {  	_ =	shalt  }
0x77: {  	_ =	shalt  }
0x78: {  	_ =	shalt  }
0x79: {  	_ =	shalt  }
0x7a: {  	_ =	shalt  }
0x7b: {  	_ =	shalt  }
0x7c: {  	_ =	shalt  }
0x7d: {  	_ =	shalt  }
0x7e: {  	_ =	shalt  }
0x7f: {  	_ =	shalt  }
0x80: {  	_ =	shalt  }
0x81: {  	_ =	shalt  }
0x82: {  	_ =	shalt  }
0x83: {  	_ =	shalt  }
0x84: {  	_ =	shalt  }
0x85: {  	_ =	shalt  }
0x86: {  	_ =	shalt  }
0x87: {  	_ =	shalt  }
.Lfunc_end0:
.L_simem_size_0:
called_computation.1_lowered:
.L_overlay_start_0:
0x88: {  	s2 =	sld [smem:$0x3FD9]  }
0x89: {  	s3 =	sld [smem:$0x3FFE];
	_ =	sdelay $0x1  }
0x8a: {  	s1 =	srdreg.scid  }
0x8b: {  	s0 =	sand.u32 $0x1, s1  }
0x8c: {  	s17 =	sshll.u32 s0, $0xA;
	s2 =	sadd.s32 s3, s2  }
0x8d: {  	s2 =	sadd.s32 s2, s17  }
0x8e: {  	[smem:$0x3FC6] =	sst s2  }
0x8f: {  	_ = 	snop  }
0x90: {  	s2 =	sld [smem:$0x3FD0];
	(tm) =	ssettm $0x1  }
0x91: {  	s18 =	sld [smem:$0x3FFB];
	_ =	sdelay $0x3  }
0x92: {  	_ =	strace s18  }
0x93: {  	s3 =	sld [smem:$0x3FFC];
	_ =	sdelay $0x3  }
0x94: {  	_ =	strace s3  }
0x95: {  	s3 =	sld [smem:$0x3FFD];
	_ =	sdelay $0x3  }
0x96: {  	_ =	strace s3  }
0x97: {  	_ =	strace $0x8FFFFFFF  }
0x98: {  	s19 =	sld [smem:$0x3FDB];
	_ =	sdelay $0x1  }
0x99: {  	s4 =	simm.s32 $_scs_section_size  }
0x9a: {  	s5 =	simm.s32 $_size__tile_overlayer_lowered;
	s6 =	simm.s32 $_tile_overlayer_lowered  }
0x9b: {  	s22 =	simm.s32 $0x1BFF;
	s21 =	sshll.u32 s6, $0x1;
	s3 =	sadd.s32 s4, s19  }
0x9c: {  	s7 =	simm.s32 $0x0;
	s20 =	sshll.u32 s5, $0x1;
	s5 =	sadd.s32 s21, s3  }
0x9d: {  	[timem:s7], [sflag:s22] =	dma.local [hbm:s5], s20  }
0x9e: {  	_ =	swait.ge [sflag:s22], s20  }
0x9f: {  	s4 =	ssub.s32 $0x0, s20;
	[sflag:s22] =	ssyncset.done $0x0  }
0xa0: {  	[sflag:s22] =	ssyncadd.s32 s4;
	_ =	sdelay $0x1  }
0xa1: {  	s23 =	simm.s32 $0x1B8B  }
0xa2: {  	_ =	swait.ge [sflag:s23], $0x1  }
0xa3: {  	[sflag:s23] =	ssyncset.done $0x0  }
0xa4: {  	s25 =	simm.s32 $0x1B8E;
	s24 =	sld [smem:$0x3FFE];
	[sflag:s23] =	ssyncadd.s32 $0xFFFFFFFF  }
0xa5: {  	s26 =	simm.s32 $execute0_lowered;
	[smem:$0x3FD2] =	sst s25  }
0xa6: {  	s5 =	sshll.u32 s26, $0x1;
	_ =	strace $0x80000049;
	[dreg:$0x1] =	wrdreg $0xFFFFFFFF  }
0xa7: {  	s28 =	simm.s32 $_size_execute0_lowered;
	s3 =	sadd.s32 s3, s5;
	[dreg:$0x0] =	wrdreg $0x0  }
0xa8: {  	s5 =	sshll.u32 s28, $0x1;
	[dreg:$0x2] =	wrdreg s3  }
0xa9: {  	[dreg:$0x3] =	wrdreg s5  }
0xaa: {  	[dreg:$0x4] =	wrdreg $0xC0  }
0xab: {  	_ =	task [dreg:s7], $0x5FFFF  }
0xac: {  	[dreg:$0x1] =	wrdreg $0xFFFFFFFF  }
0xad: {  	[dreg:$0x0] =	wrdreg $0x60  }
0xae: {  	[dreg:$0x2] =	wrdreg s24  }
0xaf: {  	[dreg:$0x3] =	wrdreg s2  }
0xb0: {  	[dreg:$0x4] =	wrdreg $0x9  }
0xb1: {  	_ =	task.clear_ibuf [dreg:s7], $0x5FFFF;
	_ =	strace $0x90000049  }
0xb2: {  	s29 =	simm.s32 $0x9;
	_ =	strace $0x8000004B  }
0xb3: {  	_ =	swait.ge [sflag:s29], $0x1  }
0xb4: {  	[sflag:s29] =	ssyncadd.s32 $0xFFFFFFFF  }
0xb5: {  	_ =	strace $0x9000004B  }
0xb6: {  	_ =	sfence  }
0xb7: {  	s30 =	sld [smem:$0x0];
	_ =	sdelay $0x2  }
0xb8: {  	s31 =	sshll.u32 s1, $0xD;
	s1 =	sshrl.u32 s1, $0x2  }
0xb9: {  	s3 =	sand.u32 $0x4000, s31;
	s1 =	sadd.s32 s1, s30  }
0xba: {  	s0 =	sor.u32 s3, s0;
	s1 =	sshll.u32 s1, $0x11  }
0xbb: {  	s0 =	sor.u32 s1, s0  }
0xbc: {  	s0 =	sadd.s32 $0x8F2B, s0  }
0xbd: {  	[sflag:s0] =	ssyncadd.remote.s32 $0x1  }
0xbe: {  	_ =	sfence.sel $0xFFFF  }
0xbf: {  	[dreg:$0x0] =	wrdreg $0xFFFFFFFF;
	(pc) =	sbr.abs _section_cstart, $3  }
0xc0: {  	[dreg:$0x1] =	wrdreg $0xFFFFFFFF  }
0xc1: {  	_ =	task.clear_ibuf [dreg:s7], $0x2FFFF;
	_ =	strace $0x9FFFFFFF  }
0xc2: {  	(tm) =	ssettm $0x7FFFFFFF  }
0xc3: {  	_ =	shalt  }
tec
execute0_lowered:
.L_overlay_start_1:
0x0: {  	(tag) =	ssettag $0x1  }
0x1: {  	s3 =	rddreg [dreg:$0x0]  }
0x2: {  	s5 =	rddreg [dreg:$0x1];
	s2 =	srdreg.scid  }
0x3: {  	s0 =	rddreg [dreg:$0x2];
	s1 =	stileid.u32  }
0x4: {  	s9 =	simm.s32 $0x2;
	s10 =	simm.s32 $0x6400;
	s11 =	simm.s32 $0x1  }
0x5: {  	s12 =	simm.s32 $0x8400;
	s13 =	simm.s32 $0x0;
	s4 =	sand.u32 $0x1, s2  }
0x6: {  	s2 =	simm.s32 $0x0;
	s6 =	sshll.u32 s1, $0x8;
	s7 =	sshll.u32 s4, $0x7  }
0x7: {  	[smem:$0x7FF] =	sst s2;
	s4 =	ssub.s32 $0x2, s4;
	s6 =	sor.u32 s7, s6  }
0x8: {  	_ =	strace $0x8000004A;
	s8 =	sshrl.u32 s4, $0x1;
	s7 =	sshrl.u32 s6, $0x3  }
0x9: {  	s8 =	ssub.s32 s4, s8;
	s6 =	sshll.u32 s6, $0x3;
	s7 =	sadd.s32 s7, s3  }
0xa: {  	s3 =	sadd.s32 $0xF5BE00, s3;
	s5 =	sadd.s32 s5, s6;
	s6 =	smax.u32 s8, $0x1  }
0xb: {  	v0 =	vimm.f32 $0.0e+00;
	v1 =	vimm.f32 $1.000000000e+00;
	s8 =	simm.s32 $0x1000;
	s4 =	sadd.s32 $0xF42E00, s7;
	s7 =	simm.s32 $0x80  }
.LBB2_1:
0xc: {  	[tilespmem:s2], [sflag:$0x2] =	stream.strided.gather [hbm4b:s4+s7], $0x6400, s8, s7, $0x38;
	[tilespmem:$0x8480] =	vst v63  }
0xd: {  	_ =	swait.ge [sflag:s9], $0x6400  }
0xe: {  	s15 =	sand.u32 $0x7FC0, s2;
	[sflag:s9] =	ssyncset.done $0x0  }
0xf: {  	s14 =	simm.s32 $0x40;
	s15 =	sshrl.u32 s15, $0x2;
	[sflag:s9] =	ssyncadd.s32 $0xFFFF9C00  }
.LBB2_2:
0x10: {  	p0 =	sne.s32 s14, $0x7FC0;
	[tilespmem:s15+$0x6400] =	vst v0;
	s15 =	smov.u32 s14;
	s14 =	sadd.s32 $0x40, s14  }
.Ltmp0:
0x11: {  	(pc) =	sbr.rel @p0 .LBB2_2-.Ltmp0, $3  }
0x12: {  	_ =	sdelay $0x1  }
0x13: {  	s15 =	sand.u32 $0x7FC0, s15  }
0x14: {  	s15 =	sshrl.u32 s15, $0x2  }
0x15: {  	[tilespmem:s15+$0x6400] =	vst v0;
	s14 =	simm.s32 $0x0  }
.LBB2_4:
0x16: {  	p0 =	sne.s32 s14, $0x18E00  }
.Ltmp1:
0x17: {  	_ = 	snop;
	(pc) =	sbr.rel @p0 .LBB2_4-.Ltmp1, $3  }
0x18: {  	_ =	sdelay $0x1  }
0x19: {  	s15 =	sshra.s32 s14, $0x2;
	s14 =	sadd.s32 $0x200, s14  }
0x1a: {  	[tilespmem:s10], [sflag:$0x1] =	stream.indirect.gather.add.f32 [hbm:s3], $0x40, s15, s7, $0xb8;
	[tilespmem:$0x8480] =	vst v63  }
0x1b: {  	s16 =	simm.s32 $0x0  }
0x1c: {  	v2 =	vld [tilespmem:s16+$0x70]  }
0x1d: {  	v3 =	vld [tilespmem:s16+$0x0];
	_ =	sdelay $0x1  }
0x1e: {  	v4 =	vld [tilespmem:s16+$0x10]  }
0x1f: {  	v6 =	vimm.f32 $0.0e+00;
	v13 =	vld [tilespmem:s16+$0x20]  }
0x20: {  	v9 =	vimm.f32 $0.0e+00;
	v8 =	vimm.f32 $0.0e+00;
	v5 =	vimm.f32 $0.0e+00;
	v10 =	vld [tilespmem:s16+$0x30]  }
0x21: {  	v7 =	vimm.f32 $0.0e+00;
	v11 =	vld [tilespmem:s16+$0x40];
	vm0 =	veq.s32 v2, $0x0;
	vm1 =	veq.s32 v3, $0x0  }
0x22: {  	v12 =	vld [tilespmem:s16+$0x50];
	v3 =	vimm.f32 $0.0e+00;
	v2 =	vsel vm0, $0x0, v1;
	v15 =	vsel vm1, $0x0, v1  }
0x23: {  	s14 =	simm.s32 $0x80;
	s15 =	simm.s32 $0x400;
	v14 =	vld [tilespmem:s16+$0x60];
	vm0 =	veq.s32 v4, $0x0;
	v4 =	vimm.f32 $0.0e+00;
	v2 =	vadd.f32 v2, v6  }
.LBB2_6:
0x24: {  	p0 =	sne.s32 s15, $0x18E00;
	v16 =	vld [tilespmem:s14+$0x70];
	v6 =	vadd.f32 v15, v6;
	v15 =	vsel vm0, $0x0, v1;
	vm0 =	veq.s32 v13, $0x0  }
0x25: {  	v17 =	vld [tilespmem:s14+$0x0];
	v9 =	vadd.f32 v15, v9;
	v13 =	vsel vm0, $0x0, v1;
	vm0 =	veq.s32 v10, $0x0  }
0x26: {  	v18 =	vld [tilespmem:s14+$0x10];
	v8 =	vadd.f32 v13, v8;
	v10 =	vsel vm0, $0x0, v1;
	vm0 =	veq.s32 v11, $0x0  }
.Ltmp2:
0x27: {  	v13 =	vld [tilespmem:s14+$0x20];
	v5 =	vadd.f32 v10, v5;
	v11 =	vsel vm0, $0x0, v1;
	vm0 =	veq.s32 v12, $0x0;
	(pc) =	sbr.rel @p0 .LBB2_6-.Ltmp2, $4  }
0x28: {  	v10 =	vld [tilespmem:s14+$0x30];
	v7 =	vadd.f32 v11, v7;
	v12 =	vsel vm0, $0x0, v1;
	vm0 =	veq.s32 v14, $0x0  }
0x29: {  	v11 =	vld [tilespmem:s14+$0x40];
	vm1 =	veq.s32 v16, $0x0;
	v4 =	vadd.f32 v12, v4;
	v14 =	vsel vm0, $0x0, v1  }
0x2a: {  	vm0 =	veq.s32 v17, $0x0;
	v12 =	vld [tilespmem:s14+$0x50];
	v16 =	vsel vm1, $0x0, v1;
	v3 =	vadd.f32 v14, v3  }
0x2b: {  	v15 =	vsel vm0, $0x0, v1;
	vm0 =	veq.s32 v18, $0x0;
	v14 =	vld [tilespmem:s14+$0x60];
	s14 =	sshra.s32 s15, $0x2;
	s15 =	sadd.s32 $0x200, s15;
	v2 =	vadd.f32 v16, v2  }
0x2c: {  	v16 =	vld [tilespmem:s14+$0x70]  }
0x2d: {  	v43 =	vld [tilespmem:s14+$0x0]  }
0x2e: {  	v45 =	vld [tilespmem:s14+$0x10]  }
0x2f: {  	v47 =	vld [tilespmem:s14+$0x20]  }
0x30: {  	vm1 =	veq.s32 v13, $0x0;
	v42 =	vsel vm0, $0x0, v1;
	v49 =	vld [tilespmem:s14+$0x30]  }
0x31: {  	v6 =	vadd.f32 v15, v6;
	v51 =	vld [tilespmem:s14+$0x40];
	v9 =	vadd.f32 v42, v9;
	v44 =	vsel vm1, $0x0, v1  }
0x32: {  	v53 =	vld [tilespmem:s14+$0x50];
	vm4 =	veq.s32 v10, $0x0;
	v8 =	vadd.f32 v44, v8;
	vm5 =	veq.s32 v11, $0x0  }
0x33: {  	v55 =	vld [tilespmem:s14+$0x60];
	v46 =	vsel vm4, $0x0, v1;
	vm6 =	veq.s32 v12, $0x0;
	v48 =	vsel vm5, $0x0, v1  }
0x34: {  	v5 =	vadd.f32 v46, v5;
	v7 =	vadd.f32 v48, v7;
	v50 =	vsel vm6, $0x0, v1  }
0x35: {  	vm7 =	veq.s32 v14, $0x0;
	vm8 =	veq.s32 v16, $0x0;
	v4 =	vadd.f32 v50, v4  }
0x36: {  	v52 =	vsel vm7, $0x0, v1;
	vm9 =	veq.s32 v43, $0x0;
	vm10 =	veq.s32 v45, $0x0  }
0x37: {  	vm11 =	veq.s32 v47, $0x0;
	vm12 =	veq.s32 v49, $0x0;
	vm13 =	veq.s32 v51, $0x0  }
0x38: {  	vm14 =	veq.s32 v53, $0x0;
	vm15 =	veq.s32 v55, $0x0;
	v16 =	vsel vm8, $0x0, v1  }
0x39: {  	v3 =	vadd.f32 v52, v3;
	v54 =	vsel vm9, $0x0, v1;
	v56 =	vsel vm10, $0x0, v1  }
0x3a: {  	v57 =	vsel vm11, $0x0, v1;
	v11 =	vsel vm12, $0x0, v1;
	v6 =	vadd.f32 v54, v6  }
0x3b: {  	v58 =	vsel vm13, $0x0, v1;
	v59 =	vsel vm14, $0x0, v1;
	v9 =	vadd.f32 v56, v9  }
0x3c: {  	v62 =	vsel vm15, $0x0, v1;
	v8 =	vadd.f32 v57, v8;
	v6 =	vmax.f32 v6, $1.000000000e+00  }
0x3d: {  	v5 =	vadd.f32 v11, v5;
	v60 =	vmax.f32 v9, $1.000000000e+00;
	(erf) = vrcp.f32 v6  }
0x3e: {  	v7 =	vadd.f32 v58, v7;
	v61 =	vmax.f32 v8, $1.000000000e+00;
	(erf) = vrcp.f32 v60  }
0x3f: {  	v4 =	vadd.f32 v59, v4;
	v5 =	vmax.f32 v5, $1.000000000e+00;
	(erf) = vrcp.f32 v61  }
0x40: {  	v3 =	vadd.f32 v62, v3;
	v63 =	vmax.f32 v7, $1.000000000e+00;
	(erf) = vrcp.f32 v5  }
0x41: {  	v2 =	vadd.f32 v16, v2;
	v4 =	vmax.f32 v4, $1.000000000e+00;
	(erf) = vrcp.f32 v63  }
0x42: {  	v3 =	vmax.f32 v3, $1.000000000e+00;
	(erf) = vrcp.f32 v4  }
0x43: {  	v2 =	vmax.f32 v2, $1.000000000e+00;
	(erf) = vrcp.f32 v3  }
0x44: {  	(erf) = vrcp.f32 v2;
	_ =	sdelay $0x1  }
0x45: {  	v2 =	vpop (erf)  }
0x46: {  	v3 =	vpop (erf);
	[tilespmem:$0x8400] =	vst v2  }
0x47: {  	v2 =	vpop (erf);
	[tilespmem:$0x8410] =	vst v3  }
0x48: {  	v3 =	vpop (erf);
	[tilespmem:$0x8420] =	vst v2  }
0x49: {  	v2 =	vpop (erf);
	[tilespmem:$0x8430] =	vst v3  }
0x4a: {  	v3 =	vpop (erf);
	[tilespmem:$0x8440] =	vst v2  }
0x4b: {  	v2 =	vpop (erf);
	[tilespmem:$0x8450] =	vst v3  }
0x4c: {  	[tilespmem:$0x8460] =	vst v2;
	v2 =	vpop (erf)  }
0x4d: {  	s14 =	simm.s32 $0xC8;
	[tilespmem:$0x8470] =	vst v2  }
.LBB2_8:
0x4e: {  	p0 =	sne.s32 s14, $0x1  }
.Ltmp3:
0x4f: {  	_ = 	snop;
	(pc) =	sbr.rel @p0 .LBB2_8-.Ltmp3, $4  }
0x50: {  	_ = 	snop  }
0x51: {  	_ =	swait.ge [sflag:s11], $0x2000  }
0x52: {  	[sflag:s11] =	ssyncset.done $0x0  }
0x53: {  	s14 =	sadd.s32 $0xFFFFFFFF, s14;
	[sflag:s11] =	ssyncadd.s32 $0xFFFFE000  }
0x54: {  	s14 =	simm.s32 $0x0  }
0x55: {  	v2 =	vmov s14;
	_ =	sdelay $0x1  }
0x56: {  	s14 =	simm.s32 $0x6420  }
0x57: {  	v4 =	vld [tilespmem:s14+$0xFFFFFFF0]  }
0x58: {  	v5 =	vld [tilespmem:s14+$0x10]  }
0x59: {  	v7 =	vld.idx.msk [tilespmem:v2+s12+$0x0], $0xffff  }
0x5a: {  	v2 =	vld [tilespmem:s14+$0xFFFFFFE0]  }
0x5b: {  	v8 =	vld [tilespmem:s14+$0x0];
	_ =	sdelay $0x3  }
0x5c: {  	s16 =	simm.s32 $0x1;
	v3 =	vmul.f32 v2, v7;
	v6 =	vmul.f32 v5, v7  }
0x5d: {  	s15 =	simm.s32 $0x2;
	v2 =	vmov s16;
	v5 =	vmul.f32 v4, v7;
	v4 =	vmul.f32 v8, v7;
	s16 =	simm.s32 $0x6420  }
.LBB2_10:
0x5e: {  	p0 =	sne.s32 s15, $0x7F  }
0x5f: {  	[tilespmem:s14+$0x10] =	vst v6;
	s16 =	sadd.s32 $0x40, s16;
	s17 =	smov.u32 s15;
	s15 =	sadd.s32 $0x1, s15  }
0x60: {  	[tilespmem:s14+$0xFFFFFFE0] =	vst v3  }
0x61: {  	v7 =	vld [tilespmem:s16+$0xFFFFFFF0];
	[tilespmem:s14+$0xFFFFFFF0] =	vst v5  }
0x62: {  	v5 =	vld [tilespmem:s16+$0x10];
	[tilespmem:s14+$0x0] =	vst v4;
	s14 =	smov.u32 s16  }
0x63: {  	v4 =	vld.idx.msk [tilespmem:v2+s12+$0x0], $0xffff  }
0x64: {  	v2 =	vld [tilespmem:s16+$0xFFFFFFE0]  }
0x65: {  	v8 =	vld [tilespmem:s16+$0x0]  }
.Ltmp4:
0x66: {  	(pc) =	sbr.rel @p0 .LBB2_10-.Ltmp4, $3  }
0x67: {  	_ =	sdelay $0x1  }
0x68: {  	v6 =	vmul.f32 v5, v4;
	v3 =	vmul.f32 v2, v4  }
0x69: {  	v5 =	vmul.f32 v7, v4;
	v2 =	vmov s17;
	v4 =	vmul.f32 v8, v4  }
0x6a: {  	[tilespmem:s14+$0x10] =	vst v6  }
0x6b: {  	s15 =	sadd.s32 $0x40, s16;
	[tilespmem:s14+$0xFFFFFFE0] =	vst v3  }
0x6c: {  	v3 =	vld [tilespmem:s15+$0xFFFFFFF0];
	[tilespmem:s14+$0xFFFFFFF0] =	vst v5  }
0x6d: {  	v5 =	vld [tilespmem:s15+$0x10];
	[tilespmem:s14+$0x0] =	vst v4  }
0x6e: {  	v2 =	vld.idx.msk [tilespmem:v2+s12+$0x0], $0xffff  }
0x6f: {  	v4 =	vld [tilespmem:s15+$0xFFFFFFE0];
	_ =	sdelay $0x1  }
0x70: {  	v6 =	vld [tilespmem:s15+$0x0];
	_ =	sdelay $0x1  }
0x71: {  	v5 =	vmul.f32 v5, v2  }
0x72: {  	v4 =	vmul.f32 v4, v2  }
0x73: {  	v3 =	vmul.f32 v3, v2;
	[tilespmem:s15+$0x10] =	vst v5  }
0x74: {  	s13 =	sadd.s32 $0x1, s13;
	v2 =	vmul.f32 v6, v2;
	[tilespmem:s15+$0xFFFFFFE0] =	vst v4  }
0x75: {  	p0 =	sne.s32 s13, s6;
	[tilespmem:s15+$0xFFFFFFF0] =	vst v3  }
.Ltmp5:
0x76: {  	[tilespmem:s15+$0x0] =	vst v2;
	(pc) =	sbr.rel @p0 .LBB2_1-.Ltmp5, $4  }
0x77: {  	[hbm4b:s5+s2] =	stream.linear.scatter [tilespmem:s10], [sflag:$0x2], $0x2000, $0x38;
	[tilespmem:$0x8480] =	vst v63  }
0x78: {  	_ =	swait.ge [sflag:s9], $0x2000  }
0x79: {  	[sflag:s9] =	ssyncset.done $0x0  }
0x7a: {  	[sflag:s9] =	ssyncadd.s32 $0xFFFFE000  }
0x7b: {  	_ =	sfence.sel $0x180000  }
0x7c: {  	[bflag:$0x0] =	sbarrier.arrive $0xFFFF  }
0x7d: {  	p0 =	sne.s32 s1, $0x0;
	_ =	strace $0x9000004A  }
0x7e: {  	s0 =	sadd.s32 @!p0 $0x100000, s0;
	[bflag:$0x2] =	sbarrier.arrive $0xFFFF  }
0x7f: {  	[sflag:s0] =	ssyncadd.tile.s32 @!p0 $0x1;
	_ =	shalt  }
.Lfunc_end2:
_tile_overlayer_lowered:
.L_overlay_start_2:
0x80: {  	(tag) =	ssettag $0x2  }
0x81: {  	s0 =	rddreg [dreg:$0x0];
	s2 =	stileid.u32  }
0x82: {  	s1 =	rddreg [dreg:$0x1];
	p0 =	sne.s32 s2, $0x0  }
0x83: {  	s3 =	rddreg [dreg:$0x2];
	[bflag:$0x3] =	sbarrier.arrive $0xFFFF;
	s2 =	simm.s32 @!p0 $0x1C02  }
0x84: {  	[timem:s3], [sflag:s2] =	dma.local @!p0 [hbm:s0], s1  }
0x85: {  	s0 =	simm.s32 @!p0 $0x2  }
0x86: {  	_ =	swait.ge @!p0 [sflag:s0], s1  }
0x87: {  	s1 =	ssub.s32 @!p0 $0x0, s1;
	[sflag:s0] =	ssyncset.done @!p0 $0x0  }
0x88: {  	[sflag:s0] =	ssyncadd.s32 @!p0 s1  }
0x89: {  	[bflag:$0x3] =	sbarrier.arrive $0xFFFF  }
0x8a: {  	_ =	shalt  }

// kernel: sparse-core-data-format-call.cloned.1.call-start
scs
called_computation_lowered:
.L_overlay_start_0:
0x0: {  	s2 =	sld [smem:$0x3FD9]  }
0x1: {  	s3 =	sld [smem:$0x3FFE];
	_ =	sdelay $0x1  }
0x2: {  	s1 =	srdreg.scid  }
0x3: {  	s0 =	sand.u32 $0x1, s1  }
0x4: {  	s18 =	sshll.u32 s0, $0xA;
	s2 =	sadd.s32 s3, s2  }
0x5: {  	s2 =	sadd.s32 s2, s18  }
0x6: {  	[smem:$0x3FC6] =	sst s2  }
0x7: {  	_ = 	snop  }
0x8: {  	s2 =	sld [smem:$0x3FC8];
	(tm) =	ssettm $0x1  }
0x9: {  	s19 =	sld [smem:$0x3FFB];
	_ =	sdelay $0x3  }
0xa: {  	_ =	strace s19  }
0xb: {  	s3 =	sld [smem:$0x3FFC];
	_ =	sdelay $0x3  }
0xc: {  	_ =	strace s3  }
0xd: {  	s3 =	sld [smem:$0x3FFD];
	_ =	sdelay $0x3  }
0xe: {  	_ =	strace s3  }
0xf: {  	_ =	strace $0x8FFFFFFF  }
0x10: {  	s20 =	sld [smem:$0x3FDB];
	_ =	sdelay $0x1  }
0x11: {  	s4 =	simm.s32 $_scs_section_size  }
0x12: {  	s5 =	simm.s32 $_size__tile_overlayer_lowered;
	s6 =	simm.s32 $_tile_overlayer_lowered  }
0x13: {  	s23 =	simm.s32 $0x1BFF;
	s22 =	sshll.u32 s6, $0x1;
	s3 =	sadd.s32 s4, s20  }
0x14: {  	s7 =	simm.s32 $0x0;
	s21 =	sshll.u32 s5, $0x1;
	s5 =	sadd.s32 s22, s3  }
0x15: {  	[timem:s7], [sflag:s23] =	dma.local [hbm:s5], s21  }
0x16: {  	_ =	swait.ge [sflag:s23], s21  }
0x17: {  	s4 =	ssub.s32 $0x0, s21;
	[sflag:s23] =	ssyncset.done $0x0  }
0x18: {  	[sflag:s23] =	ssyncadd.s32 s4;
	_ =	sdelay $0x1  }
0x19: {  	s24 =	simm.s32 $0x1B8B  }
0x1a: {  	_ =	swait.ge [sflag:s24], $0x1  }
0x1b: {  	[sflag:s24] =	ssyncset.done $0x0  }
0x1c: {  	s26 =	simm.s32 $0x1B8E;
	s25 =	sld [smem:$0x3FFE];
	[sflag:s24] =	ssyncadd.s32 $0xFFFFFFFF  }
0x1d: {  	s27 =	simm.s32 $execute0_lowered;
	[smem:$0x3FD2] =	sst s26  }
0x1e: {  	s5 =	sshll.u32 s27, $0x1;
	_ =	strace $0x80000046;
	[dreg:$0x1] =	wrdreg $0xFFFFFFFF  }
0x1f: {  	s28 =	simm.s32 $_size_execute0_lowered;
	s3 =	sadd.s32 s3, s5;
	[dreg:$0x0] =	wrdreg $0x0  }
0x20: {  	s5 =	sshll.u32 s28, $0x1;
	[dreg:$0x2] =	wrdreg s3  }
0x21: {  	[dreg:$0x3] =	wrdreg s5  }
0x22: {  	[dreg:$0x4] =	wrdreg $0xC0  }
0x23: {  	_ =	task [dreg:s7], $0x5FFFF  }
0x24: {  	[dreg:$0x1] =	wrdreg $0xFFFFFFFF  }
0x25: {  	[dreg:$0x0] =	wrdreg $0x60  }
0x26: {  	[dreg:$0x2] =	wrdreg s2  }
0x27: {  	[dreg:$0x3] =	wrdreg s25  }
0x28: {  	[dreg:$0x4] =	wrdreg $0x9  }
0x29: {  	_ =	task.clear_ibuf [dreg:s7], $0x5FFFF;
	_ =	strace $0x90000046  }
0x2a: {  	s29 =	simm.s32 $0x9;
	_ =	strace $0x80000048  }
0x2b: {  	_ =	swait.ge [sflag:s29], $0x1  }
0x2c: {  	[sflag:s29] =	ssyncadd.s32 $0xFFFFFFFF  }
0x2d: {  	_ =	strace $0x90000048  }
0x2e: {  	_ =	sfence  }
0x2f: {  	s30 =	sld [smem:$0x0];
	_ =	sdelay $0x2  }
0x30: {  	s31 =	sshll.u32 s1, $0xD;
	s1 =	sshrl.u32 s1, $0x2  }
0x31: {  	s3 =	sand.u32 $0x4000, s31;
	s1 =	sadd.s32 s1, s30  }
0x32: {  	s0 =	sor.u32 s3, s0;
	s1 =	sshll.u32 s1, $0x11  }
0x33: {  	s0 =	sor.u32 s1, s0  }
0x34: {  	s0 =	sadd.s32 $0x8F2B, s0  }
0x35: {  	[sflag:s0] =	ssyncadd.remote.s32 $0x1  }
0x36: {  	_ =	sfence.sel $0xFFFF  }
0x37: {  	[dreg:$0x0] =	wrdreg $0xFFFFFFFF;
	(pc) =	sbr.abs _section_cstart, $3  }
0x38: {  	[dreg:$0x1] =	wrdreg $0xFFFFFFFF  }
0x39: {  	_ =	task.clear_ibuf [dreg:s7], $0x2FFFF;
	_ =	strace $0x9FFFFFFF  }
0x3a: {  	(tm) =	ssettm $0x7FFFFFFF  }
0x3b: {  	_ =	shalt  }
tec
execute0_lowered:
.L_overlay_start_1:
0x0: {  	(tag) =	ssettag $0x1  }
0x1: {  	s0 =	srdreg.scid;
	s2 =	rddreg [dreg:$0x0]  }
0x2: {  	s5 =	rddreg [dreg:$0x1];
	s1 =	stileid.u32  }
0x3: {  	s4 =	simm.s32 $0x1;
	s6 =	simm.s32 $0x2;
	s15 =	simm.s32 $0x0  }
0x4: {  	p0 =	por $0x0, $0x0;
	s8 =	simm.s32 $0x80;
	s0 =	sshll.u32 s0, $0x4  }
0x5: {  	s14 =	simm.s32 $0x0;
	s9 =	simm.s32 $0x0;
	s3 =	sand.u32 $0x10, s0  }
.Ltmp0:
0x6: {  	s10 =	simm.s32 $0x0;
	s3 =	sor.u32 s1, s3;
	(pc) =	sbr.rel .LBB1_1-.Ltmp0, $4  }
0x7: {  	s0 =	rddreg [dreg:$0x2];
	_ =	strace $0x80000047;
	s3 =	sshll.u32 s3, $0x7  }
0x8: {  	s12 =	simm.s32 $0x0;
	[sflag:s4] =	ssyncpa.u1 $0x0;
	s7 =	ssub.s32 $0xF4200, s3  }
0x9: {  	s13 =	simm.s32 $0x0;
	[sflag:s6] =	ssyncpa.u1 $0x0;
	s6 =	sshrl.u32 s7, $0xC  }
0xa: {  	s5 =	sadd.s32 $0xA00, s5;
	s11 =	smov.u32 s3;
	s7 =	sadd.s32 $0x2, s6  }
.LBB1_5:
0xb: {  	p1 =	slt.u32 s13, $0x2  }
0xc: {  	s17 =	smov.u32 s15;
	p2 =	sgt.s32 @!p1 s15, $0xF41C0;
	s16 =	sshra.s32 @!p1 s15, $0x1F  }
0xd: {  	p3 =	sgt.s32 @!p1 s14, $0x40;
	s18 =	sshra.s32 @!p1 s14, $0x1F;
	p2 =	por !p2, p1  }
0xe: {  	s15 =	sand.u32 @!p1 s16, s15;
	p3 =	por !p3, p1;
	s16 =	smov.u32 s14  }
0xf: {  	s14 =	sand.u32 @!p1 s18, s14;
	s17 =	simm.s32 @p2 $0xF41C0;
	s16 =	simm.s32 @p3 $0x40  }
0x10: {  	s15 =	ssub.s32 @!p1 s17, s15;
	s14 =	ssub.s32 @!p1 s16, s14  }
0x11: {  	s18 =	smov.u32 s12;
	s16 =	sadd.s32 @!p1 $0xFFF0BE40, s15;
	s17 =	sadd.s32 @!p1 $0xFFFFFFC0, s14  }
0x12: {  	s15 =	ssub.s32 @!p1 $0xF4240, s15;
	p2 =	sgt.s32 @!p1 s16, $0x7F;
	p3 =	sgt.s32 @!p1 s17, $0x3F  }
0x13: {  	s14 =	ssub.s32 @!p1 $0x80, s14;
	p2 =	por !p2, p1;
	p3 =	por !p3, p1  }
0x14: {  	s16 =	sadd.s32 $0x1000, s11;
	s15 =	simm.s32 @!p2 $0x0;
	s14 =	simm.s32 @!p3 $0x0  }
0x15: {  	p2 =	sgt.s32 s16, $0xF423F;
	s14 =	smul.u32 @!p1 s14, s15;
	s15 =	sadd.s32 $0x40, s12  }
0x16: {  	s18 =	smov.u32 @p2 s15  }
0x17: {  	s16 =	smov.u32 @p2 s3;
	p2 =	sgt.s32 s18, $0x3F  }
0x18: {  	s18 =	simm.s32 @p2 $0x0;
	p2 =	sne.s32 s13, s7  }
.Ltmp1:
0x19: {  	p0 =	por !p0, !p0;
	s17 =	simm.s32 @!p1 $0x2;
	(pc) =	sbr.rel @!p2 .LBB1_6-.Ltmp1, $4  }
0x1a: {  	s15 =	smov.u32 s9;
	s9 =	smov.u32 s11;
	s14 =	sand.u32 @!p1 $0x3FFFFFFF, s14  }
0x1b: {  	s11 =	smov.u32 s16;
	_ =	swait.ge @!p1 [sflag:s17], s14;
	s19 =	ssub.s32 @!p1 $0x0, s14  }
0x1c: {  	s14 =	smov.u32 s10;
	s13 =	sadd.s32 $0x1, s13;
	[sflag:s17] =	ssyncset.done @!p1 $0x0  }
0x1d: {  	s10 =	smov.u32 s12;
	s12 =	smov.u32 s18;
	[sflag:s17] =	ssyncadd.s32 @!p1 s19  }
.LBB1_1:
0x1e: {  	p1 =	sgt.u32 s13, s6  }
0x1f: {  	s16 =	sshrl.u32 @!p1 s12, $0x3  }
0x20: {  	s17 =	sshll.u32 @!p1 s11, $0x3;
	s16 =	smul.u32 @!p1 $0x7A1400, s16  }
0x21: {  	s18 =	sshll.u32 @!p1 s12, $0x7;
	s17 =	sand.u32 @!p1 $0xFFFFFC00, s17  }
0x22: {  	s16 =	sadd.s32 @!p1 s16, s17;
	s17 =	sand.u32 @!p1 $0x380, s18  }
0x23: {  	s18 =	sand.u32 @!p1 $0x7F, s11;
	s16 =	sor.u32 @!p1 s17, s16  }
0x24: {  	s17 =	sor.u32 @!p1 s18, s16  }
0x25: {  	s18 =	smulhi.u32 @!p1 $0x218D6287, s17;
	_ =	sdelay $0x1  }
0x26: {  	s16 =	smulhi.u32 @!p1 $0x218D6287, s16;
	s18 =	sshrl.u32 @!p1 s18, $0x11  }
0x27: {  	s18 =	smul.u32 @!p1 $0xF4280, s18  }
0x28: {  	s19 =	sxor.u32 @!p1 $0xFFFFFFFF, s13;
	s16 =	sshrl.u32 @!p1 s16, $0x11  }
0x29: {  	s19 =	sshll.u32 @!p1 s19, $0xD;
	s16 =	sand.u32 @!p1 $0x3F, s16;
	s17 =	ssub.s32 @!p1 s17, s18  }
0x2a: {  	s16 =	smul.u32 @!p1 $0x1E850, s16;
	s18 =	sshrl.u32 @!p1 s17, $0x3;
	s17 =	sand.u32 @!p1 $0x7, s17  }
0x2b: {  	s19 =	sand.u32 @!p1 $0x2000, s19;
	s18 =	sadd.s32 @!p1 s2, s18;
	s17 =	sshll.u32 @!p1 s17, $0x12  }
0x2c: {  	s16 =	sadd.s32 @!p1 s16, s18;
	s17 =	sor.u32 @!p1 $0x400, s17;
	s18 =	simm.s32 @!p1 $0x7A1400  }
0x2d: {  	[tilespmem:s19], [sflag:$0x1] =	stream.strided.gather @!p1 [hbm4b:s16+s17], $0x2000, s18, s17, $0x38;
	[tilespmem:$0x8100] =	vst v63  }
0x2e: {  	p1 =	seq.s32 s13, $0x0  }
0x2f: {  	p2 =	sge.u32 @!p1 s13, s7  }
0x30: {  	p1 =	por p1, p2  }
.Ltmp2:
0x31: {  	_ = 	snop;
	(pc) =	sbr.rel @p1 .LBB1_5-.Ltmp2, $1  }
0x32: {  	_ =	sdelay $0x3  }
0x33: {  	s16 =	simm.s32 $0x1  }
0x34: {  	_ =	swait.ge [sflag:s4], $0x2000;
	s16 =	simm.s32 @!p0 $0x0  }
0x35: {  	[sflag:s4] =	ssyncset.done $0x0;
	s17 =	sshll.u32 s16, $0xD  }
0x36: {  	[sflag:s4] =	ssyncadd.s32 $0xFFFFE000;
	s17 =	sor.u32 $0x40, s17  }
0x37: {  	s16 =	smul.u32 $0x8200, s16;
	v0 =	vld [tilespmem:s17+$0x30]  }
0x38: {  	v1 =	vld [tilespmem:s17+$0xFFFFFFD0]  }
0x39: {  	s16 =	sshrl.u32 s16, $0x2;
	v5 =	vld [tilespmem:s17+$0xFFFFFFE0]  }
0x3a: {  	v6 =	vld [tilespmem:s17+$0xFFFFFFF0];
	s19 =	sor.u32 $0x4000, s16  }
0x3b: {  	s31 =	sand.u32 $0x1, s13;
	v4 =	vld [tilespmem:s17+$0x0];
	s18 =	sadd.s32 $0x0, s19  }
0x3c: {  	v3 =	vld [tilespmem:s17+$0x10];
	s16 =	smul.u32 $0x8200, s31;
	[tilespmem:s18+$0x1C70 ss:$0x41] =	vst.msk $0xffff, v0  }
0x3d: {  	v2 =	vld [tilespmem:s17+$0x20];
	[tilespmem:s18+$0x410 ss:$0x41] =	vst.msk $0xffff, v1  }
0x3e: {  	s16 =	sshrl.u32 s16, $0x2;
	v1 =	vld [tilespmem:s17+$0xFFFFFFC0];
	[tilespmem:s18+$0x820 ss:$0x41] =	vst.msk $0xffff, v5;
	s17 =	sadd.s32 $0x80, s17  }
0x3f: {  	s20 =	simm.s32 $0x4;
	s21 =	simm.s32 $0x8;
	s16 =	sor.u32 $0x4000, s16;
	[tilespmem:s18+$0xC30 ss:$0x41] =	vst.msk $0xffff, v6;
	v0 =	vld [tilespmem:s17+$0x30]  }
.LBB1_3:
0x40: {  	p1 =	sne.s32 s21, $0xFC;
	v5 =	vld [tilespmem:s17+$0xFFFFFFD0];
	[tilespmem:s18+$0x1040 ss:$0x41] =	vst.msk $0xffff, v4  }
0x41: {  	v6 =	vld [tilespmem:s17+$0xFFFFFFE0];
	[tilespmem:s18+$0x1450 ss:$0x41] =	vst.msk $0xffff, v3  }
0x42: {  	s22 =	sshra.s32 s20, $0x2;
	s20 =	smov.u32 s21;
	v7 =	vld [tilespmem:s17+$0xFFFFFFF0];
	[tilespmem:s18+$0x1860 ss:$0x41] =	vst.msk $0xffff, v2  }
.Ltmp3:
0x43: {  	v4 =	vld [tilespmem:s17+$0x0];
	[tilespmem:s18+$0x0 ss:$0x41] =	vst.msk $0xffff, v1;
	s18 =	sadd.s32 s22, s19;
	(pc) =	sbr.rel @p1 .LBB1_3-.Ltmp3, $4  }
0x44: {  	v3 =	vld [tilespmem:s17+$0x10];
	[tilespmem:s18+$0x1C70 ss:$0x41] =	vst.msk $0xffff, v0  }
0x45: {  	[tilespmem:s18+$0x410 ss:$0x41] =	vst.msk $0xffff, v5;
	v2 =	vld [tilespmem:s17+$0x20]  }
0x46: {  	v1 =	vld [tilespmem:s17+$0xFFFFFFC0];
	[tilespmem:s18+$0x820 ss:$0x41] =	vst.msk $0xffff, v6;
	s17 =	sadd.s32 $0x80, s17  }
0x47: {  	s21 =	sadd.s32 $0x4, s21;
	v0 =	vld [tilespmem:s17+$0x30];
	[tilespmem:s18+$0xC30 ss:$0x41] =	vst.msk $0xffff, v7  }
0x48: {  	s21 =	sshll.u32 s9, $0x7;
	s22 =	sshll.u32 s10, $0x3;
	s20 =	sshra.s32 s20, $0x2  }
0x49: {  	p1 =	sgt.s32 s9, $0xF41C0;
	s30 =	sshra.s32 s9, $0x1F;
	s25 =	sshra.s32 s10, $0x1F  }
0x4a: {  	v5 =	vld [tilespmem:s17+$0xFFFFFFD0];
	s28 =	sshrl.u32 s10, $0x3;
	s23 =	sand.u32 $0xFFFFFC00, s21;
	s22 =	sand.u32 $0xFFFFFC00, s22  }
0x4b: {  	[tilespmem:s18+$0x1040 ss:$0x41] =	vst.msk $0xffff, v4;
	v58 =	vld [tilespmem:s17+$0xFFFFFFE0];
	s21 =	sand.u32 $0x380, s21;
	s19 =	sadd.s32 s20, s19;
	s22 =	sadd.s32 s22, s23  }
0x4c: {  	v59 =	vld [tilespmem:s17+$0xFFFFFFF0];
	[tilespmem:s18+$0x1450 ss:$0x41] =	vst.msk $0xffff, v3;
	s29 =	sor.u32 s21, s22;
	s21 =	smov.u32 s9;
	s22 =	sand.u32 s30, s9  }
0x4d: {  	v60 =	vld [tilespmem:s17+$0x0];
	[tilespmem:s18+$0x1860 ss:$0x41] =	vst.msk $0xffff, v2;
	s30 =	sand.u32 $0x7, s10;
	s20 =	sshrl.u32 s29, $0x7;
	s21 =	simm.s32 @!p1 $0xF41C0  }
0x4e: {  	v61 =	vld [tilespmem:s17+$0x10];
	[tilespmem:s18+$0x0 ss:$0x41] =	vst.msk $0xffff, v1;
	p1 =	sgt.s32 s10, $0x40;
	s24 =	ssub.s32 s21, s22;
	s21 =	smov.u32 s10  }
0x4f: {  	v62 =	vld [tilespmem:s17+$0x20];
	[tilespmem:s19+$0x1C70 ss:$0x41] =	vst.msk $0xffff, v0;
	s31 =	smulhi.u32 $0x218DEF5, s20;
	s22 =	sand.u32 s25, s10;
	s21 =	simm.s32 @!p1 $0x40  }
0x50: {  	v63 =	vld [tilespmem:s17+$0xFFFFFFC0];
	[tilespmem:s19+$0x410 ss:$0x41] =	vst.msk $0xffff, v5;
	s26 =	sadd.s32 $0xFFF0BE40, s24;
	s17 =	ssub.s32 $0xF4240, s24;
	s21 =	ssub.s32 s21, s22  }
0x51: {  	[tilespmem:s19+$0x820 ss:$0x41] =	vst.msk $0xffff, v58;
	s23 =	sshrl.u32 s31, $0xD;
	p1 =	sgt.s32 s26, $0x7F;
	s27 =	sadd.s32 $0xFFFFFFC0, s21  }
0x52: {  	[tilespmem:s19+$0xC30 ss:$0x41] =	vst.msk $0xffff, v59;
	s23 =	smul.u32 $0xF4240, s23;
	s18 =	ssub.s32 $0x80, s21;
	p2 =	sgt.s32 s27, $0x3F  }
.Ltmp4:
0x53: {  	[tilespmem:s19+$0x1040 ss:$0x41] =	vst.msk $0xffff, v60;
	s17 =	simm.s32 @p1 $0x0;
	s18 =	simm.s32 @p2 $0x0;
	(pc) =	sbr.rel .LBB1_5-.Ltmp4, $4  }
0x54: {  	s29 =	sand.u32 $0xF, s28;
	[tilespmem:s19+$0x1450 ss:$0x41] =	vst.msk $0xffff, v61;
	s20 =	ssub.s32 s20, s23;
	s17 =	smul.u32 s18, s17  }
0x55: {  	[tilespmem:s19+$0x1860 ss:$0x41] =	vst.msk $0xffff, v62;
	s21 =	sshll.u32 s30, $0x12;
	s20 =	sshll.u32 s20, $0x4;
	s18 =	sadd.s32 s5, s29  }
0x56: {  	[tilespmem:s19+$0x0 ss:$0x41] =	vst.msk $0xffff, v63;
	s31 =	sor.u32 $0x40, s21;
	s18 =	sadd.s32 s20, s18;
	s17 =	sand.u32 $0x3FFFFFFF, s17  }
0x57: {  	[hbm4b:s18+s31] =	stream.strided.scatter [tilespmem:s16], [sflag:$0x2], s17, s8, s31, $0x18;
	[tilespmem:$0x8100] =	vst v63  }
.LBB1_6:
0x58: {  	_ =	sfence.sel $0x180000  }
0x59: {  	s2 =	simm.s32 $0x1;
	[bflag:$0x0] =	sbarrier.arrive $0xFFFF  }
0x5a: {  	s31 =	simm.s32 $0x2;
	[sflag:s2] =	ssyncpa.u1 $0x1  }
0x5b: {  	[sflag:s31] =	ssyncpa.u1 $0x1  }
0x5c: {  	p0 =	sne.s32 s1, $0x0;
	_ =	strace $0x90000047  }
0x5d: {  	s0 =	sadd.s32 @!p0 $0x100000, s0;
	[bflag:$0x2] =	sbarrier.arrive $0xFFFF  }
0x5e: {  	[sflag:s0] =	ssyncadd.tile.s32 @!p0 $0x1;
	_ =	shalt  }
.Lfunc_end1:
_tile_overlayer_lowered:
.L_overlay_start_2:
0x5f: {  	(tag) =	ssettag $0x2  }
0x60: {  	s0 =	rddreg [dreg:$0x0];
	s2 =	stileid.u32  }
0x61: {  	s1 =	rddreg [dreg:$0x1];
	p0 =	sne.s32 s2, $0x0  }
0x62: {  	s3 =	rddreg [dreg:$0x2];
	[bflag:$0x3] =	sbarrier.arrive $0xFFFF;
	s2 =	simm.s32 @!p0 $0x1C01  }
0x63: {  	[timem:s3], [sflag:s2] =	dma.local @!p0 [hbm:s0], s1  }
0x64: {  	s0 =	simm.s32 @!p0 $0x1  }
0x65: {  	_ =	swait.ge @!p0 [sflag:s0], s1  }
0x66: {  	s1 =	ssub.s32 @!p0 $0x0, s1;
	[sflag:s0] =	ssyncset.done @!p0 $0x0  }
0x67: {  	[sflag:s0] =	ssyncadd.s32 @!p0 s1  }
0x68: {  	[bflag:$0x3] =	sbarrier.arrive $0xFFFF  }
0x69: {  	_ =	shalt  }

</sc_bundles>
